<compile_context>
chip_gen: v7x
topology: tpu7x:2x2x1
jax: 0.10.2.dev20260603
libtpu: 0.0.44.dev20260713+nightly
codegen_flags: <defaults>
</compile_context>

<pallas_src>
import numpy as np
import jax
import jax.numpy as jnp
from jax import lax
from jax.experimental import pallas as pl
from jax.experimental.pallas import tpu as pltpu

_H = 64
_W = 64
_HW = _H * _W
_C = 128
_A = 5
_N = _HW * _A
_PRE = 2000
_PRE_PAD = 2048
_POST = 1000
_TH = 0.7
_IMG_M1 = 1023.0
_CLIP = float(np.log(1000.0 / 16.0))


def _head_body(xpad_ref, w9_ref, cb_ref, cw_ref, cbias_ref,
               wdx_ref, wdy_ref, wdw_ref, wdh_ref,
               bdx_ref, bdy_ref, bdw_ref, bdh_ref,
               s_ref, x1_ref, y1_ref, x2_ref, y2_ref):
    xc = lax.broadcasted_iota(jnp.int32, (_HW, _C), 0) % _W
    bad_l = xc == 0
    bad_r = xc == (_W - 1)
    patches = []
    for k in range(9):
        sy = k // 3 - 1
        sx = k % 3 - 1
        start = 2 * _W + sy * _W + sx
        xs = xpad_ref[start:start + _HW, :]
        if sx == -1:
            xs = jnp.where(bad_l, 0.0, xs)
        elif sx == 1:
            xs = jnp.where(bad_r, 0.0, xs)
        patches.append(xs)
    acc = lax.dot_general(
        jnp.concatenate(patches, axis=1), w9_ref[...],
        (((1,), (0,)), ((), ())),
        preferred_element_type=jnp.float32,
        precision=lax.Precision.DEFAULT)
    t = jnp.maximum(acc + cb_ref[...], 0.0)

    def mm(w_ref, b_ref):
        return lax.dot_general(
            t, w_ref[...],
            (((1,), (0,)), ((), ())),
            preferred_element_type=jnp.float32,
            precision=lax.Precision.DEFAULT) + b_ref[...]

    s_ref[...] = mm(cw_ref, cbias_ref)
    x1_ref[...] = mm(wdx_ref, bdx_ref)
    y1_ref[...] = mm(wdy_ref, bdy_ref)
    x2_ref[...] = mm(wdw_ref, bdw_ref)
    y2_ref[...] = mm(wdh_ref, bdh_ref)


def _nms_body(x1s_ref, y1s_ref, x2s_ref, y2s_ref,
              x1v_ref, y1v_ref, x2v_ref, y2v_ref, keep_ref):
    x1v = x1v_ref[...]
    y1v = y1v_ref[...]
    x2v = x2v_ref[...]
    y2v = y2v_ref[...]
    areav = (x2v - x1v + 1.0) * (y2v - y1v + 1.0)
    idx = (lax.broadcasted_iota(jnp.int32, (16, 128), 0) * 128
           + lax.broadcasted_iota(jnp.int32, (16, 128), 1))
    keep0 = (idx < _PRE).astype(jnp.float32)

    def body(i, keep):
        x1i = x1s_ref[i]
        y1i = y1s_ref[i]
        x2i = x2s_ref[i]
        y2i = y2s_ref[i]
        areai = (x2i - x1i + 1.0) * (y2i - y1i + 1.0)
        iw = jnp.maximum(jnp.minimum(x2v, x2i) - jnp.maximum(x1v, x1i) + 1.0, 0.0)
        ih = jnp.maximum(jnp.minimum(y2v, y2i) - jnp.maximum(y1v, y1i) + 1.0, 0.0)
        inter = iw * ih
        iou = inter / (areav + areai - inter)
        keep_i = jnp.sum(jnp.where(idx == i, keep, 0.0))
        sup = jnp.logical_and(iou > _TH, idx > i).astype(jnp.float32)
        return keep * (1.0 - keep_i * sup)

    keep_ref[...] = lax.fori_loop(0, _PRE, body, keep0)


def kernel(features, conv_w, conv_b, cls_w, cls_b, bbox_w, bbox_b, anchors):
    xf = jnp.transpose(features[0], (1, 2, 0)).reshape(_HW, _C)
    xpad = jnp.pad(xf, ((2 * _W, 2 * _W), (0, 0)))
    w9 = jnp.concatenate([conv_w[:, :, k // 3, k % 3].T for k in range(9)], axis=0)
    cw = cls_w[:, :, 0, 0].T
    wdx = bbox_w[0::4, :, 0, 0].T
    wdy = bbox_w[1::4, :, 0, 0].T
    wdw = bbox_w[2::4, :, 0, 0].T
    wdh = bbox_w[3::4, :, 0, 0].T
    cb = conv_b.reshape(1, _C)
    cbias = cls_b.reshape(1, _A)
    bdx = bbox_b[0::4].reshape(1, _A)
    bdy = bbox_b[1::4].reshape(1, _A)
    bdw = bbox_b[2::4].reshape(1, _A)
    bdh = bbox_b[3::4].reshape(1, _A)

    out5 = jax.ShapeDtypeStruct((_HW, _A), jnp.float32)
    s, rdx, rdy, rdw, rdh = pl.pallas_call(
        _head_body,
        out_shape=(out5, out5, out5, out5, out5),
    )(xpad, w9, cb, cw, cbias, wdx, wdy, wdw, wdh, bdx, bdy, bdw, bdh)

    scores = s.reshape(-1)
    aw = anchors[:, 2] - anchors[:, 0] + 1.0
    ah = anchors[:, 3] - anchors[:, 1] + 1.0
    acx = anchors[:, 0] + 0.5 * aw
    acy = anchors[:, 1] + 0.5 * ah
    dx = rdx.reshape(-1)
    dy = rdy.reshape(-1)
    dw = jnp.minimum(rdw.reshape(-1), _CLIP)
    dh = jnp.minimum(rdh.reshape(-1), _CLIP)
    pcx = dx * aw + acx
    pcy = dy * ah + acy
    pw = jnp.exp(dw) * aw
    ph = jnp.exp(dh) * ah
    x1 = jnp.clip(pcx - 0.5 * pw, 0.0, _IMG_M1)
    y1 = jnp.clip(pcy - 0.5 * ph, 0.0, _IMG_M1)
    x2 = jnp.clip(pcx + 0.5 * pw - 1.0, 0.0, _IMG_M1)
    y2 = jnp.clip(pcy + 0.5 * ph - 1.0, 0.0, _IMG_M1)
    boxes = jnp.stack([x1, y1, x2, y2], axis=1)

    top_scores, top_idx = lax.top_k(scores, _PRE)
    bs = jnp.pad(boxes[top_idx], ((0, _PRE_PAD - _PRE), (0, 0)))

    smem_spec = pl.BlockSpec(memory_space=pltpu.SMEM)
    keep = pl.pallas_call(
        _nms_body,
        out_shape=jax.ShapeDtypeStruct((16, 128), jnp.float32),
        in_specs=[smem_spec] * 4 + [pl.BlockSpec()] * 4,
    )(bs[:, 0], bs[:, 1], bs[:, 2], bs[:, 3],
      bs[:, 0].reshape(16, 128), bs[:, 1].reshape(16, 128),
      bs[:, 2].reshape(16, 128), bs[:, 3].reshape(16, 128))

    keep_b = keep.reshape(-1)[:_PRE] > 0.5
    masked = jnp.where(keep_b, top_scores, -1e9)
    _, final_local = lax.top_k(masked, _POST)
    final_global = top_idx[final_local]
    kf = keep_b[final_local].astype(jnp.float32)
    out_boxes = boxes[final_global] * kf[:, None]
    out_scores = scores[final_global] * kf
    return jnp.concatenate([out_boxes, out_scores[:, None]], axis=1)

# --- scband reference (transcript-rebuilt; emitter-appended) ---
"""Pipeline reference for scband-rpnmodule-33483565040154 (READ-ONLY COPY).

The authoritative reference and input builder live on the scoring server;
editing this copy changes nothing except your own understanding.
"""

import jax, jax.numpy as jnp
import numpy as np
from jax import lax

IN_CH = 128
NUM_A = 5
H = 64
W = 64
STRIDE = 16
SIZES = (32.0, 64.0, 128.0, 256.0, 512.0)
IMG = 1024.0
PRE_NMS = 2000
POST_NMS = 1000
NMS_THRESH = 0.7
BBOX_XFORM_CLIP = float(np.log(1000.0 / 16.0))


def _make_anchors():
    sx = np.arange(W, dtype=np.float32) * STRIDE + STRIDE / 2.0
    sy = np.arange(H, dtype=np.float32) * STRIDE + STRIDE / 2.0
    gy, gx = np.meshgrid(sy, sx, indexing='ij')
    sizes = np.asarray(SIZES, dtype=np.float32)
    cx = gx[:, :, None]
    cy = gy[:, :, None]
    half = sizes / 2.0
    x1 = cx - half
    y1 = cy - half
    x2 = cx + half - 1.0
    y2 = cy + half - 1.0
    return np.stack(np.broadcast_arrays(x1, y1, x2, y2), axis=-1).reshape(-1, 4).astype(np.float32)


def setup_inputs(seed: int = 0):
    key = jax.random.key(seed)
    ks = jax.random.split(key, 8)
    features = jax.random.normal(ks[0], (1, IN_CH, H, W), dtype=jnp.float32)
    conv_w = jax.random.normal(ks[1], (IN_CH, IN_CH, 3, 3), dtype=jnp.float32) * 0.01
    conv_b = jnp.zeros((IN_CH,), jnp.float32)
    cls_w = jax.random.normal(ks[2], (NUM_A, IN_CH, 1, 1), dtype=jnp.float32) * 0.01
    cls_b = jnp.zeros((NUM_A,), jnp.float32)
    bbox_w = jax.random.normal(ks[3], (NUM_A * 4, IN_CH, 1, 1), dtype=jnp.float32) * 0.01
    bbox_b = jnp.zeros((NUM_A * 4,), jnp.float32)
    anchors = jnp.asarray(_make_anchors())
    return {"features": features, "conv_w": conv_w, "conv_b": conv_b, "cls_w": cls_w, "cls_b": cls_b, "bbox_w": bbox_w, "bbox_b": bbox_b, "anchors": anchors}


def _conv(x, w, b, pad):
    y = lax.conv_general_dilated(x, w, (1, 1), pad, dimension_numbers=('NCHW', 'OIHW', 'NCHW'))
    return y + b[None, :, None, None]


def _head_decode(features, conv_w, conv_b, cls_w, cls_b, bbox_w, bbox_b, anchors):
    t = jax.nn.relu(_conv(features, conv_w, conv_b, 'SAME'))
    logits = _conv(t, cls_w, cls_b, 'VALID')
    breg = _conv(t, bbox_w, bbox_b, 'VALID')
    scores = jnp.transpose(logits, (0, 2, 3, 1)).reshape(-1)
    reg = jnp.transpose(breg.reshape(1, NUM_A, 4, H, W), (0, 3, 4, 1, 2)).reshape(-1, 4)
    aw = anchors[:, 2] - anchors[:, 0] + 1.0
    ah = anchors[:, 3] - anchors[:, 1] + 1.0
    acx = anchors[:, 0] + 0.5 * aw
    acy = anchors[:, 1] + 0.5 * ah
    dx = reg[:, 0]
    dy = reg[:, 1]
    dw = jnp.minimum(reg[:, 2], BBOX_XFORM_CLIP)
    dh = jnp.minimum(reg[:, 3], BBOX_XFORM_CLIP)
    pcx = dx * aw + acx
    pcy = dy * ah + acy
    pw = jnp.exp(dw) * aw
    ph = jnp.exp(dh) * ah
    x1 = jnp.clip(pcx - 0.5 * pw, 0.0, IMG - 1.0)
    y1 = jnp.clip(pcy - 0.5 * ph, 0.0, IMG - 1.0)
    x2 = jnp.clip(pcx + 0.5 * pw - 1.0, 0.0, IMG - 1.0)
    y2 = jnp.clip(pcy + 0.5 * ph - 1.0, 0.0, IMG - 1.0)
    boxes = jnp.stack([x1, y1, x2, y2], axis=1)
    return scores, boxes


def _nms_keep(boxes, thresh):
    x1, y1, x2, y2 = boxes[:, 0], boxes[:, 1], boxes[:, 2], boxes[:, 3]
    areas = (x2 - x1 + 1.0) * (y2 - y1 + 1.0)
    xx1 = jnp.maximum(x1[:, None], x1[None, :])
    yy1 = jnp.maximum(y1[:, None], y1[None, :])
    xx2 = jnp.minimum(x2[:, None], x2[None, :])
    yy2 = jnp.minimum(y2[:, None], y2[None, :])
    iw = jnp.maximum(xx2 - xx1 + 1.0, 0.0)
    ih = jnp.maximum(yy2 - yy1 + 1.0, 0.0)
    inter = iw * ih
    iou = inter / (areas[:, None] + areas[None, :] - inter)
    n = boxes.shape[0]
    idx = jnp.arange(n)

    def body(i, keep):
        sup = keep & (iou[i] > thresh) & (idx > i) & keep[i]
        return keep & (~sup)

    return lax.fori_loop(0, n, body, jnp.ones((n,), bool))


def _select(scores, boxes):
    top_scores, top_idx = lax.top_k(scores, PRE_NMS)
    boxes_s = boxes[top_idx]
    keep = _nms_keep(lax.stop_gradient(boxes_s), NMS_THRESH)
    masked = jnp.where(keep, top_scores, -1e9)
    _, final_local = lax.top_k(masked, POST_NMS)
    final_global = top_idx[final_local]
    keep_g = keep[final_local]
    return final_global, keep_g


def reference(features, conv_w, conv_b, cls_w, cls_b, bbox_w, bbox_b, anchors):
    scores, boxes = _head_decode(features, conv_w, conv_b, cls_w, cls_b, bbox_w, bbox_b, anchors)
    final_global, keep_g = _select(scores, boxes)
    kf = keep_g.astype(jnp.float32)
    out_boxes = boxes[final_global] * kf[:, None]
    out_scores = scores[final_global] * kf
    return jnp.concatenate([out_boxes, out_scores[:, None]], axis=1)

if __name__ == "__main__":
    import jax
    _d = setup_inputs()
    print(jax.jit(kernel)(*tuple(_d.values())))

</pallas_src>

<mosaic_0001>
module attributes {stable_mosaic.version = 14 : i64} {
  func.func @_head_body(%arg0: memref<4352x128xf32, #tpu.memory_space<vmem>>, %arg1: memref<1152x128xf32, #tpu.memory_space<vmem>>, %arg2: memref<1x128xf32, #tpu.memory_space<vmem>>, %arg3: memref<128x5xf32, #tpu.memory_space<vmem>>, %arg4: memref<1x5xf32, #tpu.memory_space<vmem>>, %arg5: memref<128x5xf32, #tpu.memory_space<vmem>>, %arg6: memref<128x5xf32, #tpu.memory_space<vmem>>, %arg7: memref<128x5xf32, #tpu.memory_space<vmem>>, %arg8: memref<128x5xf32, #tpu.memory_space<vmem>>, %arg9: memref<1x5xf32, #tpu.memory_space<vmem>>, %arg10: memref<1x5xf32, #tpu.memory_space<vmem>>, %arg11: memref<1x5xf32, #tpu.memory_space<vmem>>, %arg12: memref<1x5xf32, #tpu.memory_space<vmem>>, %arg13: memref<4096x5xf32, #tpu.memory_space<vmem>>, %arg14: memref<4096x5xf32, #tpu.memory_space<vmem>>, %arg15: memref<4096x5xf32, #tpu.memory_space<vmem>>, %arg16: memref<4096x5xf32, #tpu.memory_space<vmem>>, %arg17: memref<4096x5xf32, #tpu.memory_space<vmem>>) attributes {dimension_semantics = [], scalar_prefetch = 0 : i64, scratch_operands = 0 : i64, tpu.core_type = #tpu.core_type<tc>} {
    %iota3A = tpu.iota {dimensions = array<i32: 0>} : vector<4096x128xi32>
    %jit3A = arith.constant 64 : i32
    %eq3A = arith.constant 0 : i32
    %eq3A_0 = arith.cmpi eq, %jit3A, %eq3A : i32
    %jit3A_1 = arith.constant 1 : i32
    %select_n3A = arith.select %eq3A_0, %jit3A_1, %jit3A : i32
    %rem3A = vector.broadcast %select_n3A : i32 to vector<4096x128xi32>
    %rem3A_2 = arith.remsi %iota3A, %rem3A : vector<4096x128xi32>
    %ne3A = arith.constant 0 : i32
    %ne3A_3 = vector.broadcast %ne3A : i32 to vector<4096x128xi32>
    %ne3A_4 = arith.cmpi ne, %rem3A_2, %ne3A_3 : vector<4096x128xi32>
    %lt3A = arith.constant 0 : i32
    %lt3A_5 = vector.broadcast %lt3A : i32 to vector<4096x128xi32>
    %lt3A_6 = arith.cmpi slt, %rem3A_2, %lt3A_5 : vector<4096x128xi32>
    %lt3A_7 = arith.constant 0 : i32
    %lt3A_8 = arith.cmpi slt, %select_n3A, %lt3A_7 : i32
    %ne3A_9 = vector.broadcast %lt3A_8 : i1 to vector<4096x128xi1>
    %ne3A_10 = vector.broadcast %ne3A_9 : vector<4096x128xi1> to vector<4096x128xi1>
    %ne3A_11 = arith.xori %lt3A_6, %ne3A_10 : vector<4096x128xi1>
    %and3A = arith.andi %ne3A_11, %ne3A_4 : vector<4096x128xi1>
    %add3A = vector.broadcast %select_n3A : i32 to vector<4096x128xi32>
    %add3A_12 = arith.addi %rem3A_2, %add3A : vector<4096x128xi32>
    %select_n3A_13 = arith.select %and3A, %add3A_12, %rem3A_2 : vector<4096x128xi1>, vector<4096x128xi32>
    %eq3A_14 = arith.constant 0 : i32
    %eq3A_15 = vector.broadcast %eq3A_14 : i32 to vector<4096x128xi32>
    %eq3A_16 = arith.cmpi eq, %select_n3A_13, %eq3A_15 : vector<4096x128xi32>
    %eq3A_17 = arith.constant 63 : i32
    %eq3A_18 = vector.broadcast %eq3A_17 : i32 to vector<4096x128xi32>
    %eq3A_19 = arith.cmpi eq, %select_n3A_13, %eq3A_18 : vector<4096x128xi32>
    %get3A = arith.constant 63 : index
    %get3A_20 = arith.constant 0 : index
    %get3A_21 = vector.load %arg0[%get3A, %get3A_20] : memref<4352x128xf32, #tpu.memory_space<vmem>>, vector<4096x128xf32>
    %jit3A_22 = arith.constant 0.000000e+00 : f32
    %broadcast_in_dim3A = vector.broadcast %jit3A_22 : f32 to vector<4096x128xf32>
    %select_n3A_23 = arith.select %eq3A_16, %broadcast_in_dim3A, %get3A_21 : vector<4096x128xi1>, vector<4096x128xf32>
    %get3A_24 = arith.constant 64 : index
    %get3A_25 = arith.constant 0 : index
    %get3A_26 = vector.load %arg0[%get3A_24, %get3A_25] : memref<4352x128xf32, #tpu.memory_space<vmem>>, vector<4096x128xf32>
    %get3A_27 = arith.constant 65 : index
    %get3A_28 = arith.constant 0 : index
    %get3A_29 = vector.load %arg0[%get3A_27, %get3A_28] : memref<4352x128xf32, #tpu.memory_space<vmem>>, vector<4096x128xf32>
    %jit3A_30 = arith.constant 0.000000e+00 : f32
    %broadcast_in_dim3A_31 = vector.broadcast %jit3A_30 : f32 to vector<4096x128xf32>
    %select_n3A_32 = arith.select %eq3A_19, %broadcast_in_dim3A_31, %get3A_29 : vector<4096x128xi1>, vector<4096x128xf32>
    %get3A_33 = arith.constant 127 : index
    %get3A_34 = arith.constant 0 : index
    %get3A_35 = vector.load %arg0[%get3A_33, %get3A_34] : memref<4352x128xf32, #tpu.memory_space<vmem>>, vector<4096x128xf32>
    %jit3A_36 = arith.constant 0.000000e+00 : f32
    %broadcast_in_dim3A_37 = vector.broadcast %jit3A_36 : f32 to vector<4096x128xf32>
    %select_n3A_38 = arith.select %eq3A_16, %broadcast_in_dim3A_37, %get3A_35 : vector<4096x128xi1>, vector<4096x128xf32>
    %get3A_39 = arith.constant 128 : index
    %get3A_40 = arith.constant 0 : index
    %get3A_41 = vector.load %arg0[%get3A_39, %get3A_40] : memref<4352x128xf32, #tpu.memory_space<vmem>>, vector<4096x128xf32>
    %get3A_42 = arith.constant 129 : index
    %get3A_43 = arith.constant 0 : index
    %get3A_44 = vector.load %arg0[%get3A_42, %get3A_43] : memref<4352x128xf32, #tpu.memory_space<vmem>>, vector<4096x128xf32>
    %jit3A_45 = arith.constant 0.000000e+00 : f32
    %broadcast_in_dim3A_46 = vector.broadcast %jit3A_45 : f32 to vector<4096x128xf32>
    %select_n3A_47 = arith.select %eq3A_19, %broadcast_in_dim3A_46, %get3A_44 : vector<4096x128xi1>, vector<4096x128xf32>
    %get3A_48 = arith.constant 191 : index
    %get3A_49 = arith.constant 0 : index
    %get3A_50 = vector.load %arg0[%get3A_48, %get3A_49] : memref<4352x128xf32, #tpu.memory_space<vmem>>, vector<4096x128xf32>
    %jit3A_51 = arith.constant 0.000000e+00 : f32
    %broadcast_in_dim3A_52 = vector.broadcast %jit3A_51 : f32 to vector<4096x128xf32>
    %select_n3A_53 = arith.select %eq3A_16, %broadcast_in_dim3A_52, %get3A_50 : vector<4096x128xi1>, vector<4096x128xf32>
    %get3A_54 = arith.constant 192 : index
    %get3A_55 = arith.constant 0 : index
    %get3A_56 = vector.load %arg0[%get3A_54, %get3A_55] : memref<4352x128xf32, #tpu.memory_space<vmem>>, vector<4096x128xf32>
    %get3A_57 = arith.constant 193 : index
    %get3A_58 = arith.constant 0 : index
    %get3A_59 = vector.load %arg0[%get3A_57, %get3A_58] : memref<4352x128xf32, #tpu.memory_space<vmem>>, vector<4096x128xf32>
    %jit3A_60 = arith.constant 0.000000e+00 : f32
    %broadcast_in_dim3A_61 = vector.broadcast %jit3A_60 : f32 to vector<4096x128xf32>
    %select_n3A_62 = arith.select %eq3A_19, %broadcast_in_dim3A_61, %get3A_59 : vector<4096x128xi1>, vector<4096x128xf32>
    %concatenate3A = tpu.concatenate %select_n3A_23, %get3A_26, %select_n3A_32, %select_n3A_38, %get3A_41, %select_n3A_47, %select_n3A_53, %get3A_56, %select_n3A_62 in 1 : vector<4096x128xf32>, vector<4096x128xf32>, vector<4096x128xf32>, vector<4096x128xf32>, vector<4096x128xf32>, vector<4096x128xf32>, vector<4096x128xf32>, vector<4096x128xf32>, vector<4096x128xf32> -> vector<4096x1152xf32>
    %get3A_63 = arith.constant 0 : index
    %get3A_64 = arith.constant 0 : index
    %get3A_65 = vector.load %arg1[%get3A_63, %get3A_64] : memref<1152x128xf32, #tpu.memory_space<vmem>>, vector<1152x128xf32>
    %dot_general3A = arith.constant dense<0.000000e+00> : vector<4096x128xf32>
    %dot_general3A_66 = tpu.matmul %concatenate3A, %get3A_65, %dot_general3A {dimension_numbers = #tpu.dot_dimension_numbers<[1], [0], [0], [1], [0, 0, 1, 1], [], []>, transpose_lhs_hint = false} : vector<4096x1152xf32>, vector<1152x128xf32>, vector<4096x128xf32> -> vector<4096x128xf32>
    %get3A_67 = arith.constant 0 : index
    %get3A_68 = arith.constant 0 : index
    %get3A_69 = vector.load %arg2[%get3A_67, %get3A_68] : memref<1x128xf32, #tpu.memory_space<vmem>>, vector<1x128xf32>
    %add3A_70 = vector.broadcast %get3A_69 : vector<1x128xf32> to vector<4096x128xf32>
    %add3A_71 = arith.addf %dot_general3A_66, %add3A_70 : vector<4096x128xf32>
    %max3A = arith.constant 0.000000e+00 : f32
    %max3A_72 = vector.broadcast %max3A : f32 to vector<4096x128xf32>
    %max3A_73 = arith.maximumf %add3A_71, %max3A_72 : vector<4096x128xf32>
    %get3A_74 = arith.constant 0 : index
    %get3A_75 = arith.constant 0 : index
    %get3A_76 = vector.load %arg3[%get3A_74, %get3A_75] : memref<128x5xf32, #tpu.memory_space<vmem>>, vector<128x5xf32>
    %dot_general3A_77 = arith.constant dense<0.000000e+00> : vector<4096x5xf32>
    %dot_general3A_78 = tpu.matmul %max3A_73, %get3A_76, %dot_general3A_77 {dimension_numbers = #tpu.dot_dimension_numbers<[1], [0], [0], [1], [0, 0, 1, 1], [], []>, transpose_lhs_hint = false} : vector<4096x128xf32>, vector<128x5xf32>, vector<4096x5xf32> -> vector<4096x5xf32>
    %get3A_79 = arith.constant 0 : index
    %get3A_80 = arith.constant 0 : index
    %get3A_81 = vector.load %arg4[%get3A_79, %get3A_80] : memref<1x5xf32, #tpu.memory_space<vmem>>, vector<1x5xf32>
    %add3A_82 = vector.broadcast %get3A_81 : vector<1x5xf32> to vector<4096x5xf32>
    %add3A_83 = arith.addf %dot_general3A_78, %add3A_82 : vector<4096x5xf32>
    %swap3A = arith.constant 0 : index
    %swap3A_84 = arith.constant 0 : index
    %swap3A_85 = vector.load %arg13[%swap3A, %swap3A_84] : memref<4096x5xf32, #tpu.memory_space<vmem>>, vector<4096x5xf32>
    tpu.vector_store %arg13[%swap3A, %swap3A_84], %add3A_83 {strides = array<i32>} : memref<4096x5xf32, #tpu.memory_space<vmem>>, vector<4096x5xf32>,
    %get3A_86 = arith.constant 0 : index
    %get3A_87 = arith.constant 0 : index
    %get3A_88 = vector.load %arg5[%get3A_86, %get3A_87] : memref<128x5xf32, #tpu.memory_space<vmem>>, vector<128x5xf32>
    %dot_general3A_89 = arith.constant dense<0.000000e+00> : vector<4096x5xf32>
    %dot_general3A_90 = tpu.matmul %max3A_73, %get3A_88, %dot_general3A_89 {dimension_numbers = #tpu.dot_dimension_numbers<[1], [0], [0], [1], [0, 0, 1, 1], [], []>, transpose_lhs_hint = false} : vector<4096x128xf32>, vector<128x5xf32>, vector<4096x5xf32> -> vector<4096x5xf32>
    %get3A_91 = arith.constant 0 : index
    %get3A_92 = arith.constant 0 : index
    %get3A_93 = vector.load %arg9[%get3A_91, %get3A_92] : memref<1x5xf32, #tpu.memory_space<vmem>>, vector<1x5xf32>
    %add3A_94 = vector.broadcast %get3A_93 : vector<1x5xf32> to vector<4096x5xf32>
    %add3A_95 = arith.addf %dot_general3A_90, %add3A_94 : vector<4096x5xf32>
    %swap3A_96 = arith.constant 0 : index
    %swap3A_97 = arith.constant 0 : index
    %swap3A_98 = vector.load %arg14[%swap3A_96, %swap3A_97] : memref<4096x5xf32, #tpu.memory_space<vmem>>, vector<4096x5xf32>
    tpu.vector_store %arg14[%swap3A_96, %swap3A_97], %add3A_95 {strides = array<i32>} : memref<4096x5xf32, #tpu.memory_space<vmem>>, vector<4096x5xf32>,
    %get3A_99 = arith.constant 0 : index
    %get3A_100 = arith.constant 0 : index
    %get3A_101 = vector.load %arg6[%get3A_99, %get3A_100] : memref<128x5xf32, #tpu.memory_space<vmem>>, vector<128x5xf32>
    %dot_general3A_102 = arith.constant dense<0.000000e+00> : vector<4096x5xf32>
    %dot_general3A_103 = tpu.matmul %max3A_73, %get3A_101, %dot_general3A_102 {dimension_numbers = #tpu.dot_dimension_numbers<[1], [0], [0], [1], [0, 0, 1, 1], [], []>, transpose_lhs_hint = false} : vector<4096x128xf32>, vector<128x5xf32>, vector<4096x5xf32> -> vector<4096x5xf32>
    %get3A_104 = arith.constant 0 : index
    %get3A_105 = arith.constant 0 : index
    %get3A_106 = vector.load %arg10[%get3A_104, %get3A_105] : memref<1x5xf32, #tpu.memory_space<vmem>>, vector<1x5xf32>
    %add3A_107 = vector.broadcast %get3A_106 : vector<1x5xf32> to vector<4096x5xf32>
    %add3A_108 = arith.addf %dot_general3A_103, %add3A_107 : vector<4096x5xf32>
    %swap3A_109 = arith.constant 0 : index
    %swap3A_110 = arith.constant 0 : index
    %swap3A_111 = vector.load %arg15[%swap3A_109, %swap3A_110] : memref<4096x5xf32, #tpu.memory_space<vmem>>, vector<4096x5xf32>
    tpu.vector_store %arg15[%swap3A_109, %swap3A_110], %add3A_108 {strides = array<i32>} : memref<4096x5xf32, #tpu.memory_space<vmem>>, vector<4096x5xf32>,
    %get3A_112 = arith.constant 0 : index
    %get3A_113 = arith.constant 0 : index
    %get3A_114 = vector.load %arg7[%get3A_112, %get3A_113] : memref<128x5xf32, #tpu.memory_space<vmem>>, vector<128x5xf32>
    %dot_general3A_115 = arith.constant dense<0.000000e+00> : vector<4096x5xf32>
    %dot_general3A_116 = tpu.matmul %max3A_73, %get3A_114, %dot_general3A_115 {dimension_numbers = #tpu.dot_dimension_numbers<[1], [0], [0], [1], [0, 0, 1, 1], [], []>, transpose_lhs_hint = false} : vector<4096x128xf32>, vector<128x5xf32>, vector<4096x5xf32> -> vector<4096x5xf32>
    %get3A_117 = arith.constant 0 : index
    %get3A_118 = arith.constant 0 : index
    %get3A_119 = vector.load %arg11[%get3A_117, %get3A_118] : memref<1x5xf32, #tpu.memory_space<vmem>>, vector<1x5xf32>
    %add3A_120 = vector.broadcast %get3A_119 : vector<1x5xf32> to vector<4096x5xf32>
    %add3A_121 = arith.addf %dot_general3A_116, %add3A_120 : vector<4096x5xf32>
    %swap3A_122 = arith.constant 0 : index
    %swap3A_123 = arith.constant 0 : index
    %swap3A_124 = vector.load %arg16[%swap3A_122, %swap3A_123] : memref<4096x5xf32, #tpu.memory_space<vmem>>, vector<4096x5xf32>
    tpu.vector_store %arg16[%swap3A_122, %swap3A_123], %add3A_121 {strides = array<i32>} : memref<4096x5xf32, #tpu.memory_space<vmem>>, vector<4096x5xf32>,
    %get3A_125 = arith.constant 0 : index
    %get3A_126 = arith.constant 0 : index
    %get3A_127 = vector.load %arg8[%get3A_125, %get3A_126] : memref<128x5xf32, #tpu.memory_space<vmem>>, vector<128x5xf32>
    %dot_general3A_128 = arith.constant dense<0.000000e+00> : vector<4096x5xf32>
    %dot_general3A_129 = tpu.matmul %max3A_73, %get3A_127, %dot_general3A_128 {dimension_numbers = #tpu.dot_dimension_numbers<[1], [0], [0], [1], [0, 0, 1, 1], [], []>, transpose_lhs_hint = false} : vector<4096x128xf32>, vector<128x5xf32>, vector<4096x5xf32> -> vector<4096x5xf32>
    %get3A_130 = arith.constant 0 : index
    %get3A_131 = arith.constant 0 : index
    %get3A_132 = vector.load %arg12[%get3A_130, %get3A_131] : memref<1x5xf32, #tpu.memory_space<vmem>>, vector<1x5xf32>
    %add3A_133 = vector.broadcast %get3A_132 : vector<1x5xf32> to vector<4096x5xf32>
    %add3A_134 = arith.addf %dot_general3A_129, %add3A_133 : vector<4096x5xf32>
    %swap3A_135 = arith.constant 0 : index
    %swap3A_136 = arith.constant 0 : index
    %swap3A_137 = vector.load %arg17[%swap3A_135, %swap3A_136] : memref<4096x5xf32, #tpu.memory_space<vmem>>, vector<4096x5xf32>
    tpu.vector_store %arg17[%swap3A_135, %swap3A_136], %add3A_134 {strides = array<i32>} : memref<4096x5xf32, #tpu.memory_space<vmem>>, vector<4096x5xf32>,
    return
  }
}

module attributes {stable_mosaic.version = 14 : i64} {
  func.func @_nms_body(%arg0: memref<2048xf32, #tpu.memory_space<smem>>, %arg1: memref<2048xf32, #tpu.memory_space<smem>>, %arg2: memref<2048xf32, #tpu.memory_space<smem>>, %arg3: memref<2048xf32, #tpu.memory_space<smem>>, %arg4: memref<16x128xf32, #tpu.memory_space<vmem>>, %arg5: memref<16x128xf32, #tpu.memory_space<vmem>>, %arg6: memref<16x128xf32, #tpu.memory_space<vmem>>, %arg7: memref<16x128xf32, #tpu.memory_space<vmem>>, %arg8: memref<16x128xf32, #tpu.memory_space<vmem>>) attributes {dimension_semantics = [], scalar_prefetch = 0 : i64, scratch_operands = 0 : i64, tpu.core_type = #tpu.core_type<tc>} {
    %get3A = arith.constant 0 : index
    %get3A_0 = arith.constant 0 : index
    %get3A_1 = vector.load %arg4[%get3A, %get3A_0] : memref<16x128xf32, #tpu.memory_space<vmem>>, vector<16x128xf32>
    %get3A_2 = arith.constant 0 : index
    %get3A_3 = arith.constant 0 : index
    %get3A_4 = vector.load %arg5[%get3A_2, %get3A_3] : memref<16x128xf32, #tpu.memory_space<vmem>>, vector<16x128xf32>
    %get3A_5 = arith.constant 0 : index
    %get3A_6 = arith.constant 0 : index
    %get3A_7 = vector.load %arg6[%get3A_5, %get3A_6] : memref<16x128xf32, #tpu.memory_space<vmem>>, vector<16x128xf32>
    %get3A_8 = arith.constant 0 : index
    %get3A_9 = arith.constant 0 : index
    %get3A_10 = vector.load %arg7[%get3A_8, %get3A_9] : memref<16x128xf32, #tpu.memory_space<vmem>>, vector<16x128xf32>
    %sub3A = arith.subf %get3A_7, %get3A_1 : vector<16x128xf32>
    %add3A = arith.constant 1.000000e+00 : f32
    %add3A_11 = vector.broadcast %add3A : f32 to vector<16x128xf32>
    %add3A_12 = arith.addf %sub3A, %add3A_11 : vector<16x128xf32>
    %sub3A_13 = arith.subf %get3A_10, %get3A_4 : vector<16x128xf32>
    %add3A_14 = arith.constant 1.000000e+00 : f32
    %add3A_15 = vector.broadcast %add3A_14 : f32 to vector<16x128xf32>
    %add3A_16 = arith.addf %sub3A_13, %add3A_15 : vector<16x128xf32>
    %mul3A = arith.mulf %add3A_12, %add3A_16 : vector<16x128xf32>
    %iota3A = tpu.iota {dimensions = array<i32: 0>} : vector<16x128xi32>
    %mul3A_17 = arith.constant 128 : i32
    %mul3A_18 = vector.broadcast %mul3A_17 : i32 to vector<16x128xi32>
    %mul3A_19 = arith.muli %iota3A, %mul3A_18 : vector<16x128xi32>
    %iota3A_20 = tpu.iota {dimensions = array<i32: 1>} : vector<16x128xi32>
    %add3A_21 = arith.addi %mul3A_19, %iota3A_20 : vector<16x128xi32>
    %lt3A = arith.constant 2000 : i32
    %lt3A_22 = vector.broadcast %lt3A : i32 to vector<16x128xi32>
    %lt3A_23 = arith.cmpi slt, %add3A_21, %lt3A_22 : vector<16x128xi32>
    %convert_element_type3A = arith.extui %lt3A_23 : vector<16x128xi1> to vector<16x128xi32>
    %convert_element_type3A_24 = arith.sitofp %convert_element_type3A : vector<16x128xi32> to vector<16x128xf32>
    %scan3A = arith.constant 0 : i32
    %scan3A_25 = arith.constant 2000 : i32
    %scan3A_26 = arith.addi %scan3A, %scan3A_25 : i32
    %scan3A_27 = arith.constant 1 : i32
    %scan3A_28 = scf.for %scan3A_32 = %scan3A to %scan3A_26 step %scan3A_27 iter_args(%scan3A_33 = %convert_element_type3A_24) -> (vector<16x128xf32>)  : i32 {
      %get3A_34 = arith.index_cast %scan3A_32 : i32 to index
      %get3A_35 = memref.load %arg0[%get3A_34] : memref<2048xf32, #tpu.memory_space<smem>>
      %get3A_36 = arith.index_cast %scan3A_32 : i32 to index
      %get3A_37 = memref.load %arg1[%get3A_36] : memref<2048xf32, #tpu.memory_space<smem>>
      %get3A_38 = arith.index_cast %scan3A_32 : i32 to index
      %get3A_39 = memref.load %arg2[%get3A_38] : memref<2048xf32, #tpu.memory_space<smem>>
      %get3A_40 = arith.index_cast %scan3A_32 : i32 to index
      %get3A_41 = memref.load %arg3[%get3A_40] : memref<2048xf32, #tpu.memory_space<smem>>
      %sub3A_42 = arith.subf %get3A_39, %get3A_35 : f32
      %add3A_43 = arith.constant 1.000000e+00 : f32
      %add3A_44 = arith.addf %sub3A_42, %add3A_43 : f32
      %sub3A_45 = arith.subf %get3A_41, %get3A_37 : f32
      %add3A_46 = arith.constant 1.000000e+00 : f32
      %add3A_47 = arith.addf %sub3A_45, %add3A_46 : f32
      %mul3A_48 = arith.mulf %add3A_44, %add3A_47 : f32
      %min3A = vector.broadcast %get3A_39 : f32 to vector<16x128xf32>
      %min3A_49 = arith.minimumf %get3A_7, %min3A : vector<16x128xf32>
      %max3A = vector.broadcast %get3A_35 : f32 to vector<16x128xf32>
      %max3A_50 = arith.maximumf %get3A_1, %max3A : vector<16x128xf32>
      %sub3A_51 = arith.subf %min3A_49, %max3A_50 : vector<16x128xf32>
      %add3A_52 = arith.constant 1.000000e+00 : f32
      %add3A_53 = vector.broadcast %add3A_52 : f32 to vector<16x128xf32>
      %add3A_54 = arith.addf %sub3A_51, %add3A_53 : vector<16x128xf32>
      %max3A_55 = arith.constant 0.000000e+00 : f32
      %max3A_56 = vector.broadcast %max3A_55 : f32 to vector<16x128xf32>
      %max3A_57 = arith.maximumf %add3A_54, %max3A_56 : vector<16x128xf32>
      %min3A_58 = vector.broadcast %get3A_41 : f32 to vector<16x128xf32>
      %min3A_59 = arith.minimumf %get3A_10, %min3A_58 : vector<16x128xf32>
      %max3A_60 = vector.broadcast %get3A_37 : f32 to vector<16x128xf32>
      %max3A_61 = arith.maximumf %get3A_4, %max3A_60 : vector<16x128xf32>
      %sub3A_62 = arith.subf %min3A_59, %max3A_61 : vector<16x128xf32>
      %add3A_63 = arith.constant 1.000000e+00 : f32
      %add3A_64 = vector.broadcast %add3A_63 : f32 to vector<16x128xf32>
      %add3A_65 = arith.addf %sub3A_62, %add3A_64 : vector<16x128xf32>
      %max3A_66 = arith.constant 0.000000e+00 : f32
      %max3A_67 = vector.broadcast %max3A_66 : f32 to vector<16x128xf32>
      %max3A_68 = arith.maximumf %add3A_65, %max3A_67 : vector<16x128xf32>
      %mul3A_69 = arith.mulf %max3A_57, %max3A_68 : vector<16x128xf32>
      %add3A_70 = vector.broadcast %mul3A_48 : f32 to vector<16x128xf32>
      %add3A_71 = arith.addf %mul3A, %add3A_70 : vector<16x128xf32>
      %sub3A_72 = arith.subf %add3A_71, %mul3A_69 : vector<16x128xf32>
      %div3A = arith.divf %mul3A_69, %sub3A_72 : vector<16x128xf32>
      %eq3A = vector.broadcast %scan3A_32 : i32 to vector<16x128xi32>
      %eq3A_73 = arith.cmpi eq, %add3A_21, %eq3A : vector<16x128xi32>
      %jit3A = arith.constant 0.000000e+00 : f32
      %broadcast_in_dim3A = vector.broadcast %jit3A : f32 to vector<16x128xf32>
      %select_n3A = arith.select %eq3A_73, %scan3A_33, %broadcast_in_dim3A : vector<16x128xi1>, vector<16x128xf32>
      %reduce_sum3A = vector.shape_cast %select_n3A : vector<16x128xf32> to vector<1x16x128xf32>
      %reduce_sum3A_74 = arith.constant dense<0.000000e+00> : vector<1xf32>
      %reduce_sum3A_75 = vector.multi_reduction <add>, %reduce_sum3A, %reduce_sum3A_74 [1, 2] : vector<1x16x128xf32> to vector<1xf32>
      %reduce_sum3A_76 = vector.shape_cast %reduce_sum3A_75 : vector<1xf32> to vector<1x1x1xf32>
      %reduce_sum3A_77 = vector.extract %reduce_sum3A_76[0, 0, 0] : f32 from vector<1x1x1xf32>
      %gt3A = arith.constant 0.699999988 : f32
      %gt3A_78 = vector.broadcast %gt3A : f32 to vector<16x128xf32>
      %gt3A_79 = arith.cmpf ogt, %div3A, %gt3A_78 : vector<16x128xf32>
      %gt3A_80 = vector.broadcast %scan3A_32 : i32 to vector<16x128xi32>
      %gt3A_81 = arith.cmpi sgt, %add3A_21, %gt3A_80 : vector<16x128xi32>
      %and3A = arith.andi %gt3A_79, %gt3A_81 : vector<16x128xi1>
      %convert_element_type3A_82 = arith.extui %and3A : vector<16x128xi1> to vector<16x128xi32>
      %convert_element_type3A_83 = arith.sitofp %convert_element_type3A_82 : vector<16x128xi32> to vector<16x128xf32>
      %mul3A_84 = vector.broadcast %reduce_sum3A_77 : f32 to vector<16x128xf32>
      %mul3A_85 = arith.mulf %mul3A_84, %convert_element_type3A_83 : vector<16x128xf32>
      %sub3A_86 = arith.constant 1.000000e+00 : f32
      %sub3A_87 = vector.broadcast %sub3A_86 : f32 to vector<16x128xf32>
      %sub3A_88 = arith.subf %sub3A_87, %mul3A_85 : vector<16x128xf32>
      %mul3A_89 = arith.mulf %scan3A_33, %sub3A_88 : vector<16x128xf32>
      scf.yield %mul3A_89 : vector<16x128xf32>
    }
    %scan3A_29 = arith.constant 2000 : i32
    %swap3A = arith.constant 0 : index
    %swap3A_30 = arith.constant 0 : index
    %swap3A_31 = vector.load %arg8[%swap3A, %swap3A_30] : memref<16x128xf32, #tpu.memory_space<vmem>>, vector<16x128xf32>
    tpu.vector_store %arg8[%swap3A, %swap3A_30], %scan3A_28 {strides = array<i32>} : memref<16x128xf32, #tpu.memory_space<vmem>>, vector<16x128xf32>,
    return
  }
}

</mosaic_0001>

<sc_bundles>
// kernel: gather_offload_async_start
scs
__scs_entry_jumppad:
0x0: {  	(pc) =	sbr.rel $0x88, $3  }
0x1: {  	(tag) =	ssettag $0x0;
	lr =	simm.s32 $0x1  }
0x2: {  	[smem:$0x3F99] =	sst lr;
	_ =	strace $0xD0000000  }
0x3: {  	_ = 	snop  }
0x4: {  	_ = 	snop  }
0x5: {  	_ = 	snop  }
0x6: {  	_ = 	snop  }
0x7: {  	_ = 	snop  }
__scs_overlays_trampoline_lowered:
0x8: {  	[smem:$0x3FA8] =	sst s0  }
0x9: {  	[smem:$0x3FA9] =	sst s1  }
0xa: {  	[smem:$0x3FAA] =	sst s2  }
0xb: {  	[smem:$0x3FAB] =	sst s3  }
0xc: {  	[smem:$0x3FAC] =	sst s4  }
0xd: {  	[smem:$0x3FAD] =	sst s5  }
0xe: {  	[smem:$0x3FAE] =	sst s6  }
0xf: {  	[smem:$0x3FAF] =	sst s7  }
0x10: {  	[smem:$0x3FB0] =	sst s8  }
0x11: {  	[smem:$0x3FB1] =	sst s9;
	s0 =	simm.s32 @!p0 $0x0  }
0x12: {  	s1 =	sld [smem:$0x3F97];
	s0 =	simm.s32 @p0 $0x1  }
0x13: {  	[smem:$0x3FB2] =	sst s0;
	s0 =	simm.s32 @!p1 $0x0  }
0x14: {  	s2 =	sld [smem:$0x3F96];
	s0 =	simm.s32 @p1 $0x1  }
0x15: {  	[smem:$0x3FB3] =	sst s0;
	s0 =	simm.s32 @!p2 $0x0  }
0x16: {  	s3 =	sld [smem:$0x3FDB];
	s0 =	simm.s32 @p2 $0x1  }
0x17: {  	s4 =	simm.s32 $0x1BF5;
	[smem:$0x3FB5] =	sst s0  }
0x18: {  	s0 =	sld [smem:$0x3F98];
	_ =	swait.ge [sflag:s4], $0x0  }
0x19: {  	s7 =	sld [smem:$0x3F99]  }
0x1a: {  	s8 =	sadd.s32 $0xFFFFE003, lr  }
0x1b: {  	s9 =	sadd.s32 $0xFFFFFEF7, lr;
	s5 =	simm.s32 $0xFFFFFFFF;
	p2 =	slt.u32 s8, $0xFFFFF086  }
0x1c: {  	p1 =	slt.u32 s9, $0xF7A;
	s5 =	simm.s32 @!p2 $0x0  }
0x1d: {  	s5 =	simm.s32 @p1 $0x1;
	p0 =	seq.s32 s7, s2  }
0x1e: {  	s7 =	smul.u32 @!p0 $0xF7A, s2;
	p2 =	seq.s32 @!p0 s5, $0x0  }
0x1f: {  	s9 =	smul.u32 $0xF7A, s1;
	s8 =	simm.s32 @!p0 $0x1BF5;
	p2 =	por !p2, p0  }
0x20: {  	[sflag:s8] =	ssyncset.s32 @!p0 $0xFFFFF086;
	s6 =	sadd.s32 @!p0 s3, s7;
	s7 =	simm.s32 @!p0 $0x108  }
0x21: {  	s3 =	sadd.s32 s3, s9;
	s6 =	sadd.s32 @!p0 $0x88, s6;
	s7 =	simm.s32 @p2 $0x1082  }
0x22: {  	[simem:s7], [sflag:s8] =	dma.local @!p0 [hbm:s6], $0xF7A  }
0x23: {  	s9 =	sor.u32 $0xD0000000, s2;
	s6 =	simm.s32 $0x108;
	_ =	swait.ge @!p0 [sflag:s8], $0x0  }
0x24: {  	s3 =	sadd.s32 $0x88, s3;
	s6 =	simm.s32 @!p1 $0x1082;
	[sflag:s4] =	ssyncset.s32 $0xFFFFF086  }
0x25: {  	[simem:s6], [sflag:s4] =	dma.local [hbm:s3], $0xF7A  }
0x26: {  	[smem:$0x3F99] =	sst s1;
	(tag) =	ssettag s2;
	_ =	strace s9  }
0x27: {  	s1 =	sld [smem:$0x3FA9]  }
0x28: {  	s2 =	sld [smem:$0x3FAA]  }
0x29: {  	s4 =	sld [smem:$0x3FAC]  }
0x2a: {  	p0 =	seq.s32 s5, $0x0;
	s5 =	sld [smem:$0x3FAD]  }
0x2b: {  	s6 =	sld [smem:$0x3FAE]  }
0x2c: {  	s7 =	sld [smem:$0x3FAF]  }
0x2d: {  	s3 =	simm.s32 $0x108;
	s8 =	sld [smem:$0x3FB0]  }
0x2e: {  	s3 =	simm.s32 @!p0 $0x1082;
	s9 =	sld [smem:$0x3FB1]  }
0x2f: {  	lr =	sadd.s32 s0, s3;
	s0 =	sld [smem:$0x3FA8]  }
0x30: {  	s3 =	sld [smem:$0x3FAB]  }
0x31: {  	[smem:$0x3FB4] =	sst s10  }
0x32: {  	s10 =	sld [smem:$0x3FB2];
	_ =	sdelay $0x3  }
0x33: {  	p0 =	seq.s32 s10, $0x1;
	s10 =	sld [smem:$0x3FB4];
	_ =	sdelay $0x3  }
0x34: {  	[smem:$0x3FB4] =	sst s10  }
0x35: {  	s10 =	sld [smem:$0x3FB3];
	_ =	sdelay $0x3  }
0x36: {  	p1 =	seq.s32 s10, $0x1;
	s10 =	sld [smem:$0x3FB4];
	_ =	sdelay $0x3  }
0x37: {  	[smem:$0x3FB4] =	sst s10  }
0x38: {  	s10 =	sld [smem:$0x3FB5]  }
0x39: {  	_ = 	snop;
	(pc) =	sbr.ind lr, $3  }
0x3a: {  	_ = 	snop  }
0x3b: {  	_ = 	snop  }
0x3c: {  	p2 =	seq.s32 s10, $0x1;
	s10 =	sld [smem:$0x3FB4]  }
0x3d: {  	_ =	shalt  }
0x3e: {  	_ =	shalt  }
0x3f: {  	_ =	shalt  }
0x40: {  	_ =	shalt  }
0x41: {  	_ =	shalt  }
0x42: {  	_ =	shalt  }
0x43: {  	_ =	shalt  }
0x44: {  	_ =	shalt  }
0x45: {  	_ =	shalt  }
0x46: {  	_ =	shalt  }
0x47: {  	_ =	shalt  }
0x48: {  	_ =	shalt  }
0x49: {  	_ =	shalt  }
0x4a: {  	_ =	shalt  }
0x4b: {  	_ =	shalt  }
0x4c: {  	_ =	shalt  }
0x4d: {  	_ =	shalt  }
0x4e: {  	_ =	shalt  }
0x4f: {  	_ =	shalt  }
0x50: {  	_ =	shalt  }
0x51: {  	_ =	shalt  }
0x52: {  	_ =	shalt  }
0x53: {  	_ =	shalt  }
0x54: {  	_ =	shalt  }
0x55: {  	_ =	shalt  }
0x56: {  	_ =	shalt  }
0x57: {  	_ =	shalt  }
0x58: {  	_ =	shalt  }
0x59: {  	_ =	shalt  }
0x5a: {  	_ =	shalt  }
0x5b: {  	_ =	shalt  }
0x5c: {  	_ =	shalt  }
0x5d: {  	_ =	shalt  }
0x5e: {  	_ =	shalt  }
0x5f: {  	_ =	shalt  }
0x60: {  	_ =	shalt  }
0x61: {  	_ =	shalt  }
0x62: {  	_ =	shalt  }
0x63: {  	_ =	shalt  }
0x64: {  	_ =	shalt  }
0x65: {  	_ =	shalt  }
0x66: {  	_ =	shalt  }
0x67: {  	_ =	shalt  }
0x68: {  	_ =	shalt  }
0x69: {  	_ =	shalt  }
0x6a: {  	_ =	shalt  }
0x6b: {  	_ =	shalt  }
0x6c: {  	_ =	shalt  }
0x6d: {  	_ =	shalt  }
0x6e: {  	_ =	shalt  }
0x6f: {  	_ =	shalt  }
0x70: {  	_ =	shalt  }
0x71: {  	_ =	shalt  }
0x72: {  	_ =	shalt  }
0x73: {  	_ =	shalt  }
0x74: {  	_ =	shalt  }
0x75: {  	_ =	shalt  }
0x76: {  	_ =	shalt  }
0x77: {  	_ =	shalt  }
0x78: {  	_ =	shalt  }
0x79: {  	_ =	shalt  }
0x7a: {  	_ =	shalt  }
0x7b: {  	_ =	shalt  }
0x7c: {  	_ =	shalt  }
0x7d: {  	_ =	shalt  }
0x7e: {  	_ =	shalt  }
0x7f: {  	_ =	shalt  }
0x80: {  	_ =	shalt  }
0x81: {  	_ =	shalt  }
0x82: {  	_ =	shalt  }
0x83: {  	_ =	shalt  }
0x84: {  	_ =	shalt  }
0x85: {  	_ =	shalt  }
0x86: {  	_ =	shalt  }
0x87: {  	_ =	shalt  }
.Lfunc_end0:
.L_simem_size_0:
called_computation_lowered:
.L_overlay_start_0:
0x88: {  	s0 =	sld [smem:$0x3FD9]  }
0x89: {  	s1 =	sld [smem:$0x3FFE];
	_ =	sdelay $0x3  }
0x8a: {  	s0 =	sadd.s32 s1, s0  }
0x8b: {  	[smem:$0x3FC0] =	sst s0  }
0x8c: {  	_ = 	snop  }
0x8d: {  	s0 =	sld [smem:$0x3FD0];
	(tm) =	ssettm $0x1  }
0x8e: {  	s16 =	sld [smem:$0x3FFB];
	_ =	sdelay $0x3  }
0x8f: {  	_ =	strace s16  }
0x90: {  	s1 =	sld [smem:$0x3FFC];
	_ =	sdelay $0x3  }
0x91: {  	_ =	strace s1  }
0x92: {  	s1 =	sld [smem:$0x3FFD];
	_ =	sdelay $0x3  }
0x93: {  	_ =	strace s1  }
0x94: {  	_ =	strace $0x8FFFFFFF  }
0x95: {  	s17 =	sld [smem:$0x3FDB];
	_ =	sdelay $0x1  }
0x96: {  	s2 =	simm.s32 $_scs_section_size  }
0x97: {  	s3 =	simm.s32 $_size__tile_overlayer_lowered;
	s4 =	simm.s32 $_tile_overlayer_lowered  }
0x98: {  	s20 =	simm.s32 $0x1BFF;
	s19 =	sshll.u32 s4, $0x1;
	s1 =	sadd.s32 s2, s17  }
0x99: {  	s5 =	simm.s32 $0x0;
	s18 =	sshll.u32 s3, $0x1;
	s3 =	sadd.s32 s19, s1  }
0x9a: {  	[timem:s5], [sflag:s20] =	dma.local [hbm:s3], s18  }
0x9b: {  	_ =	swait.ge [sflag:s20], s18  }
0x9c: {  	s2 =	ssub.s32 $0x0, s18;
	[sflag:s20] =	ssyncset.done $0x0  }
0x9d: {  	[sflag:s20] =	ssyncadd.s32 s2;
	_ =	sdelay $0x1  }
0x9e: {  	s21 =	simm.s32 $0x1B8B  }
0x9f: {  	_ =	swait.ge [sflag:s21], $0x1  }
0xa0: {  	[sflag:s21] =	ssyncset.done $0x0  }
0xa1: {  	s23 =	simm.s32 $0x1B8E;
	s22 =	sld [smem:$0x3FFE];
	[sflag:s21] =	ssyncadd.s32 $0xFFFFFFFF  }
0xa2: {  	s24 =	simm.s32 $execute0_lowered;
	[smem:$0x3FD2] =	sst s23  }
0xa3: {  	s3 =	sshll.u32 s24, $0x1;
	_ =	strace $0x80000046;
	[dreg:$0x1] =	wrdreg $0xFFFFFFFF  }
0xa4: {  	s25 =	simm.s32 $_size_execute0_lowered;
	s1 =	sadd.s32 s1, s3;
	[dreg:$0x0] =	wrdreg $0x0  }
0xa5: {  	s3 =	sshll.u32 s25, $0x1;
	[dreg:$0x2] =	wrdreg s1  }
0xa6: {  	[dreg:$0x3] =	wrdreg s3  }
0xa7: {  	[dreg:$0x4] =	wrdreg $0xC0  }
0xa8: {  	_ =	task [dreg:s5], $0x5FFFF  }
0xa9: {  	[dreg:$0x1] =	wrdreg $0xFFFFFFFF  }
0xaa: {  	[dreg:$0x0] =	wrdreg $0x60  }
0xab: {  	[dreg:$0x2] =	wrdreg s22  }
0xac: {  	[dreg:$0x3] =	wrdreg s0  }
0xad: {  	[dreg:$0x4] =	wrdreg $0x9  }
0xae: {  	_ =	task.clear_ibuf [dreg:s5], $0x5FFFF;
	_ =	strace $0x90000046  }
0xaf: {  	s26 =	simm.s32 $0x9;
	_ =	strace $0x80000048  }
0xb0: {  	_ =	swait.ge [sflag:s26], $0x1  }
0xb1: {  	[sflag:s26] =	ssyncadd.s32 $0xFFFFFFFF  }
0xb2: {  	_ =	strace $0x90000048  }
0xb3: {  	_ =	sfence  }
0xb4: {  	s28 =	sld [smem:$0x0];
	_ =	sdelay $0x1  }
0xb5: {  	s29 =	srdreg.scid  }
0xb6: {  	s30 =	sshll.u32 s29, $0xD;
	s31 =	sshrl.u32 s29, $0x2  }
0xb7: {  	s2 =	sand.u32 $0x4000, s30;
	s1 =	sand.u32 $0x1, s29;
	s0 =	sadd.s32 s31, s28  }
0xb8: {  	s1 =	sor.u32 s2, s1;
	s0 =	sshll.u32 s0, $0x11  }
0xb9: {  	s0 =	sor.u32 s0, s1  }
0xba: {  	s0 =	sadd.s32 $0x8F2B, s0  }
0xbb: {  	[sflag:s0] =	ssyncadd.remote.s32 $0x1  }
0xbc: {  	_ =	sfence.sel $0xFFFF  }
0xbd: {  	[dreg:$0x0] =	wrdreg $0xFFFFFFFF;
	(pc) =	sbr.abs _section_cstart, $3  }
0xbe: {  	[dreg:$0x1] =	wrdreg $0xFFFFFFFF  }
0xbf: {  	_ =	task.clear_ibuf [dreg:s5], $0x2FFFF;
	_ =	strace $0x9FFFFFFF  }
0xc0: {  	(tm) =	ssettm $0x7FFFFFFF  }
0xc1: {  	_ =	shalt  }
tec
execute0_lowered:
.L_overlay_start_1:
0x0: {  	(tag) =	ssettag $0x1  }
0x1: {  	s0 =	stileid.u32  }
0x2: {  	s1 =	smin.u32 s0, $0x9  }
0x3: {  	s1 =	sadd.s32 s0, s1  }
0x4: {  	s2 =	simm.s32 $0xA0;
	p0 =	slt.u32 s0, $0x9;
	s1 =	smul.u32 $0x50, s1  }
0x5: {  	s2 =	simm.s32 @!p0 $0x50  }
0x6: {  	s2 =	sadd.s32 s2, s1  }
0x7: {  	s3 =	smin.u32 s2, $0x7D0  }
0x8: {  	s7 =	ssub.s32 s3, s1  }
0x9: {  	p0 =	sgt.s32 s7, $0x0  }
0xa: {  	s7 =	simm.s32 @!p0 $0x0  }
0xb: {  	s4 =	rddreg [dreg:$0x0];
	s31 =	smul.u32 $0xCCCD, s7  }
0xc: {  	s5 =	rddreg [dreg:$0x1]  }
0xd: {  	s6 =	simm.s32 $0x1;
	s10 =	simm.s32 $0x3;
	s8 =	sshrl.u32 s31, $0x16  }
0xe: {  	s13 =	simm.s32 $0x0;
	s12 =	simm.s32 $0x0;
	s9 =	smul.u32 $0x50, s8  }
.Ltmp0:
0xf: {  	s11 =	smov.u32 s1;
	s2 =	rddreg [dreg:$0x2];
	(pc) =	sbr.rel .LBB2_1-.Ltmp0, $4  }
0x10: {  	_ =	strace $0x80000047;
	p0 =	sne.s32 s7, s9;
	s9 =	simm.s32 $0x1  }
0x11: {  	[sflag:s6] =	ssyncpa.u1 $0x0;
	s7 =	simm.s32 $0x2;
	s9 =	simm.s32 @!p0 $0x0  }
0x12: {  	[sflag:s7] =	ssyncpa.u1 $0x0;
	p0 =	por $0x0, $0x0;
	s8 =	sadd.s32 s8, s9  }
0x13: {  	vm0 =	vmmov $0xff;
	vm1 =	vcmask $0x3F20;
	s9 =	sadd.s32 $0x50000, s4;
	[sflag:s10] =	ssyncpa.u1 $0x0;
	s10 =	sadd.s32 $0x1, s8  }
.LBB2_6:
0x14: {  	[hbm:s17] =	stream.linear.scatter [tilespmem:s14], [sflag:$0x3], $0x400, $0x38;
	[tilespmem:$0x50A0] =	vst v63  }
.LBB2_7:
0x15: {  	s13 =	sadd.s32 $0x50, s11  }
0x16: {  	s15 =	smov.u32 s1;
	p2 =	slt.s32 s13, s3  }
0x17: {  	s15 =	smov.u32 @p2 s13;
	p2 =	sne.s32 s12, s10  }
.Ltmp1:
0x18: {  	p1 =	slt.u32 s12, $0x2;
	(pc) =	sbr.rel @!p2 .LBB2_8-.Ltmp1, $4  }
0x19: {  	s14 =	simm.s32 @!p1 $0x3  }
0x1a: {  	s16 =	sadd.s32 $0x1, s12;
	_ =	swait.ge @!p1 [sflag:s14], $0x2800  }
0x1b: {  	p0 =	por !p0, !p0;
	s13 =	smov.u32 s11;
	[sflag:s14] =	ssyncset.done @!p1 $0x0  }
0x1c: {  	s12 =	smov.u32 s16;
	s11 =	smov.u32 s15;
	[sflag:s14] =	ssyncadd.s32 @!p1 $0xFFFFD800  }
.LBB2_1:
0x1d: {  	p1 =	sge.u32 s12, s8  }
0x1e: {  	s14 =	sxor.u32 @!p1 $0xFFFFFFFF, s12  }
0x1f: {  	s14 =	sand.u32 @!p1 $0x1, s14  }
0x20: {  	s14 =	smul.u32 @!p1 $0x140, s14  }
0x21: {  	s31 =	sadd.s32 $0xFFFFFFFF, s12;
	s15 =	sshrl.u32 @!p1 s11, $0x3  }
0x22: {  	s16 =	sand.u32 @!p1 $0x7, s11;
	s15 =	sadd.s32 @!p1 s5, s15;
	s14 =	sshrl.u32 @!p1 s14, $0x2  }
0x23: {  	[tilespmem:s14], [sflag:$0x2] =	stream.linear.gather @!p1 [hbm4b:s15+s16], $0x50, $0x38;
	[tilespmem:$0x50A0] =	vst v63  }
0x24: {  	p1 =	sge.u32 s31, s8  }
.Ltmp2:
0x25: {  	_ = 	snop;
	(pc) =	sbr.rel @p1 .LBB2_7-.Ltmp2, $1  }
0x26: {  	_ =	sdelay $0x3  }
0x27: {  	s14 =	simm.s32 $0x1  }
0x28: {  	s14 =	simm.s32 @!p0 $0x0  }
0x29: {  	s15 =	smul.u32 $0x140, s14  }
0x2a: {  	_ =	swait.ge [sflag:s7], $0x50  }
0x2b: {  	[sflag:s7] =	ssyncset.done $0x0;
	s16 =	sshrl.u32 s15, $0x2  }
0x2c: {  	[sflag:s7] =	ssyncadd.s32 $0xFFFFFFB0;
	s15 =	sadd.s32 $0x0, s16  }
0x2d: {  	v0 =	vld.msk [tilespmem:s15+$0x0 ss:$0x1], $0xffff;
	_ =	sdelay $0x4  }
0x2e: {  	vm2 =	vgt.s32 v0, $0x0  }
0x2f: {  	v0 =	vnsel vm2, $0x0, v0  }
0x30: {  	v0 =	vmin.u32 v0, $0x4FFF  }
0x31: {  	v0 =	vshll.u32 v0, $0x4  }
0x32: {  	s14 =	smul.u32 $0xA000, s14;
	_ =	sdelay $0x1  }
0x33: {  	s14 =	sshrl.u32 s14, $0x2  }
0x34: {  	s14 =	sor.u32 $0xA0, s14  }
0x35: {  	[tilespmem:s14], [sflag:$0x1] =	stream.indirect_vreg.gather [hbm:s4], $0x80, v0, vm0, $0x38;
	[tilespmem:$0x50A0] =	vst v63  }
0x36: {  	s17 =	sadd.s32 $0x10, s16;
	s15 =	sadd.s32 $0x400, s14  }
0x37: {  	[tilespmem:s15], [sflag:$0x1] =	stream.indirect_vreg.gather [hbm:s4], $0x80, v0, vm1, $0x38;
	[tilespmem:$0x50A0] =	vst v63  }
0x38: {  	s18 =	simm.s32 $0x80;
	v0 =	vld.msk [tilespmem:s17+$0x0 ss:$0x1], $0xffff;
	s17 =	smov.u32 s14  }
.LBB2_3:
0x39: {  	p1 =	sne.s32 s18, $0x100;
	_ =	sdelay $0x4  }
0x3a: {  	vm2 =	vgt.s32 v0, $0x0  }
0x3b: {  	v0 =	vnsel vm2, $0x0, v0  }
0x3c: {  	v0 =	vmin.u32 v0, $0x4FFF  }
0x3d: {  	v0 =	vshll.u32 v0, $0x4;
	_ =	sdelay $0x3  }
.Ltmp3:
0x3e: {  	s19 =	sshra.s32 s18, $0x2;
	s17 =	sadd.s32 $0x800, s17;
	(pc) =	sbr.rel @p1 .LBB2_3-.Ltmp3, $4  }
0x3f: {  	[tilespmem:s17], [sflag:$0x1] =	stream.indirect_vreg.gather [hbm:s4], $0x80, v0, vm0, $0x38;
	[tilespmem:$0x50A0] =	vst v63  }
0x40: {  	s19 =	sadd.s32 s19, s16;
	s20 =	sadd.s32 $0x400, s17  }
0x41: {  	[tilespmem:s20], [sflag:$0x1] =	stream.indirect_vreg.gather [hbm:s4], $0x80, v0, vm1, $0x38;
	[tilespmem:$0x50A0] =	vst v63  }
0x42: {  	s18 =	sadd.s32 $0x40, s18;
	v0 =	vld.msk [tilespmem:s19+$0x0 ss:$0x1], $0xffff  }
0x43: {  	_ =	sdelay $0x3  }
0x44: {  	vm2 =	vgt.s32 v0, $0x0  }
0x45: {  	v0 =	vnsel vm2, $0x0, v0  }
0x46: {  	v0 =	vmin.u32 v0, $0x4FFF  }
0x47: {  	v0 =	vshll.u32 v0, $0x4;
	_ =	sdelay $0x3  }
0x48: {  	s16 =	sadd.s32 $0x800, s17  }
0x49: {  	[tilespmem:s16], [sflag:$0x1] =	stream.indirect_vreg.gather [hbm:s4], $0x80, v0, vm0, $0x38;
	[tilespmem:$0x50A0] =	vst v63  }
0x4a: {  	s16 =	sadd.s32 $0x400, s16  }
0x4b: {  	[tilespmem:s16], [sflag:$0x1] =	stream.indirect_vreg.gather [hbm:s4], $0x80, v0, vm1, $0x38;
	[tilespmem:$0x50A0] =	vst v63  }
0x4c: {  	s13 =	sshll.u32 s13, $0x4;
	_ =	swait.ge [sflag:s6], $0x2800  }
0x4d: {  	s13 =	sadd.s32 s13, s9;
	[sflag:s6] =	ssyncset.done $0x0  }
0x4e: {  	s17 =	sadd.s32 $0x0, s13;
	s16 =	simm.s32 $0x80;
	[sflag:s6] =	ssyncadd.s32 $0xFFFFD800  }
.LBB2_5:
0x4f: {  	[hbm:s17] =	stream.linear.scatter [tilespmem:s14], [sflag:$0x3], $0x400, $0x38;
	[tilespmem:$0x50A0] =	vst v63  }
0x50: {  	s17 =	smov.u32 s16;
	s14 =	smov.u32 s15;
	p1 =	sne.s32 s16, $0x480  }
.Ltmp4:
0x51: {  	s16 =	sadd.s32 $0x80, s16;
	(pc) =	sbr.rel @p1 .LBB2_5-.Ltmp4, $2  }
0x52: {  	_ =	sdelay $0x2  }
0x53: {  	s15 =	sadd.s32 $0x400, s15;
	s17 =	sadd.s32 s17, s13  }
.Ltmp5:
0x54: {  	_ = 	snop;
	(pc) =	sbr.rel .LBB2_6-.Ltmp5, $1  }
0x55: {  	_ =	sdelay $0x3  }
.LBB2_8:
0x56: {  	_ =	sfence.sel $0x180000  }
0x57: {  	s1 =	simm.s32 $0x2;
	[bflag:$0x0] =	sbarrier.arrive $0xFFFF  }
0x58: {  	s30 =	simm.s32 $0x3;
	[sflag:s1] =	ssyncpa.u1 $0x1  }
0x59: {  	s31 =	simm.s32 $0x1;
	[sflag:s30] =	ssyncpa.u1 $0x1  }
0x5a: {  	[sflag:s31] =	ssyncpa.u1 $0x1  }
0x5b: {  	p0 =	sne.s32 s0, $0x0;
	_ =	strace $0x90000047  }
0x5c: {  	s0 =	sadd.s32 @!p0 $0x100000, s2;
	[bflag:$0x2] =	sbarrier.arrive $0xFFFF  }
0x5d: {  	[sflag:s0] =	ssyncadd.tile.s32 @!p0 $0x1;
	_ =	shalt  }
.Lfunc_end2:
_tile_overlayer_lowered:
.L_overlay_start_2:
0x5e: {  	(tag) =	ssettag $0x2  }
0x5f: {  	s0 =	rddreg [dreg:$0x0];
	s2 =	stileid.u32  }
0x60: {  	s1 =	rddreg [dreg:$0x1];
	p0 =	sne.s32 s2, $0x0  }
0x61: {  	s3 =	rddreg [dreg:$0x2];
	[bflag:$0x3] =	sbarrier.arrive $0xFFFF;
	s2 =	simm.s32 @!p0 $0x1C01  }
0x62: {  	[timem:s3], [sflag:s2] =	dma.local @!p0 [hbm:s0], s1  }
0x63: {  	s0 =	simm.s32 @!p0 $0x1  }
0x64: {  	_ =	swait.ge @!p0 [sflag:s0], s1  }
0x65: {  	s1 =	ssub.s32 @!p0 $0x0, s1;
	[sflag:s0] =	ssyncset.done @!p0 $0x0  }
0x66: {  	[sflag:s0] =	ssyncadd.s32 @!p0 s1  }
0x67: {  	[bflag:$0x3] =	sbarrier.arrive $0xFFFF  }
0x68: {  	_ =	shalt  }

</sc_bundles>
